<compile_context>
chip_gen: v7x
topology: tpu7x:2x2x1
jax: 0.10.2.dev20260603
libtpu: 0.0.44.dev20260713+nightly
codegen_flags: <defaults>
</compile_context>

<pallas_src>
import functools

import jax
import jax.numpy as jnp
from jax import lax
from jax.experimental import pallas as pl
from jax.experimental.pallas import tpu as pltpu
from jax.experimental.pallas import tpu_sc as plsc

NC = 2
NS = 16
NW = NC * NS
C = 80
NP = 10240
NPA = 10112


def _mesh():
    return plsc.VectorSubcoreMesh(core_axis_name="c", subcore_axis_name="s")


def _fill(ref, n, value):
    vec = jnp.full((16,), value, jnp.float32)

    def body(i, carry):
        ref[pl.ds(i * 16, 16)] = vec
        return carry

    lax.fori_loop(0, n // 16, body, None)


@functools.partial(jax.jit, static_argnums=(2, 3))
def _degrees(src2d, dst2d, E, n_pad):
    chunks = E // NW // C
    seg = n_pad // NS

    @functools.partial(
        pl.kernel,
        out_type=(
            jax.ShapeDtypeStruct((NC, n_pad), jnp.float32),
            jax.ShapeDtypeStruct((NC, n_pad), jnp.float32),
        ),
        mesh=_mesh(),
        scratch_types=[
            pltpu.VMEM((chunks, C), jnp.int32),
            pltpu.VMEM((chunks, C), jnp.int32),
            pltpu.VMEM((C,), jnp.float32),
            pltpu.VMEM((seg,), jnp.float32),
            pltpu.VMEM_SHARED((n_pad,), jnp.float32),
            pltpu.VMEM_SHARED((n_pad,), jnp.float32),
            pltpu.SemaphoreType.DMA,
            pltpu.SemaphoreType.DMA,
        ],
    )
    def deg_kernel(src_hbm, dst_hbm, out_s, out_d,
                   idx_s, idx_d, ones_v, zeros_v, hist_s, hist_d,
                   sem_s, sem_d):
        cid = lax.axis_index("c")
        sid = lax.axis_index("s")
        wid = cid * NS + sid

        _fill(ones_v, C, 1.0)
        _fill(zeros_v, seg, 0.0)

        pltpu.sync_copy(src_hbm.at[wid], idx_s)
        pltpu.sync_copy(dst_hbm.at[wid], idx_d)

        pltpu.sync_copy(zeros_v, hist_s.at[pl.ds(sid * seg, seg)])
        pltpu.sync_copy(zeros_v, hist_d.at[pl.ds(sid * seg, seg)])
        plsc.subcore_barrier()

        def s_start(j):
            pltpu.make_async_copy(ones_v, hist_s.at[idx_s.at[j]],
                                  sem_s).start(add=True)
            pltpu.make_async_copy(ones_v, hist_d.at[idx_d.at[j]],
                                  sem_d).start(add=True)

        def s_wait(j):
            pltpu.make_async_copy(ones_v, hist_s.at[idx_s.at[j]],
                                  sem_s).wait()
            pltpu.make_async_copy(ones_v, hist_d.at[idx_d.at[j]],
                                  sem_d).wait()

        def body(j, carry):
            s_start(j)

            @pl.when(j >= 4)
            def _():
                s_wait(j - 4)

            return carry

        lax.fori_loop(0, chunks, body, None)

        def drain(j, carry):
            s_wait(j)
            return carry

        lax.fori_loop(chunks - 4, chunks, drain, None)
        plsc.subcore_barrier()

        pltpu.sync_copy(hist_s.at[pl.ds(sid * seg, seg)],
                        out_s.at[cid, pl.ds(sid * seg, seg)])
        pltpu.sync_copy(hist_d.at[pl.ds(sid * seg, seg)],
                        out_d.at[cid, pl.ds(sid * seg, seg)])

    return deg_kernel(src2d, dst2d)


NBUF = 4
NBUF_I = 8


@functools.partial(jax.jit, static_argnums=(3, 4, 5))
def _aggregate(h, src4, dst4, E, n_pad, D):
    chunks = E // NW // C
    rows = n_pad // NS

    @functools.partial(
        pl.kernel,
        out_type=jax.ShapeDtypeStruct((NC, n_pad, D), jnp.float32),
        mesh=_mesh(),
        scratch_types=[
            pltpu.VMEM((NBUF_I, 2, C), jnp.int32),
            pltpu.VMEM((NBUF, C, D), jnp.float32),
            pltpu.VMEM((40, D), jnp.float32),
            pltpu.VMEM_SHARED((n_pad, D), jnp.float32),
            pltpu.SemaphoreType.DMA,
            pltpu.SemaphoreType.DMA,
            pltpu.SemaphoreType.DMA,
            pltpu.SemaphoreType.DMA,
        ],
    )
    def agg_kernel(h_hbm, src_hbm, dst_hbm, out_hbm, idx, buf, zbuf, acc,
                   sem_i, sem_g, sem_s, sem_z):
        cid = lax.axis_index("c")
        sid = lax.axis_index("s")
        wid = cid * NS + sid

        def idx_start(j):
            pltpu.make_async_copy(src_hbm.at[wid, j, 0],
                                  idx.at[j % NBUF_I, 0], sem_i).start()
            pltpu.make_async_copy(dst_hbm.at[wid, j, 0],
                                  idx.at[j % NBUF_I, 1], sem_i).start()

        def idx_wait(j):
            pltpu.make_async_copy(src_hbm.at[wid, j, 0],
                                  idx.at[j % NBUF_I, 0], sem_i).wait()
            pltpu.make_async_copy(dst_hbm.at[wid, j, 0],
                                  idx.at[j % NBUF_I, 1], sem_i).wait()

        def gat_start(j):
            pltpu.make_async_copy(h_hbm.at[idx.at[j % NBUF_I, 0]],
                                  buf.at[j % NBUF], sem_g).start()

        def gat_wait(j):
            pltpu.make_async_copy(h_hbm.at[idx.at[j % NBUF_I, 0]],
                                  buf.at[j % NBUF], sem_g).wait()

        def scat_start(j):
            pltpu.make_async_copy(buf.at[j % NBUF],
                                  acc.at[idx.at[j % NBUF_I, 1]],
                                  sem_s).start(add=True)

        def scat_wait(j):
            pltpu.make_async_copy(buf.at[j % NBUF],
                                  acc.at[idx.at[j % NBUF_I, 1]],
                                  sem_s).wait()

        zvec = jnp.zeros((16,), jnp.float32)
        ZR = 40

        def zfill(k, carry):
            zbuf[k // (D // 16), pl.ds((k % (D // 16)) * 16, 16)] = zvec
            return carry

        lax.fori_loop(0, ZR * (D // 16), zfill, None)
        base = sid * rows
        nz = rows // ZR
        rem = rows - nz * ZR

        def z_start(i, carry):
            pltpu.make_async_copy(zbuf, acc.at[pl.ds(base + i * ZR, ZR)],
                                  sem_z).start()
            return carry

        lax.fori_loop(0, nz, z_start, None)
        if rem:
            pltpu.make_async_copy(zbuf.at[pl.ds(0, rem)],
                                  acc.at[pl.ds(base + nz * ZR, rem)],
                                  sem_z).start()

        for j in range(5):
            idx_start(j)
        idx_wait(0)
        gat_start(0)
        idx_wait(1)
        gat_start(1)

        def z_wait(i, carry):
            pltpu.make_async_copy(zbuf, acc.at[pl.ds(base + i * ZR, ZR)],
                                  sem_z).wait()
            return carry

        lax.fori_loop(0, nz, z_wait, None)
        if rem:
            pltpu.make_async_copy(zbuf.at[pl.ds(0, rem)],
                                  acc.at[pl.ds(base + nz * ZR, rem)],
                                  sem_z).wait()
        plsc.subcore_barrier()

        def body(j, carry):
            @pl.when(j >= 2)
            def _():
                scat_wait(j - 2)

            @pl.when(j + 5 < chunks)
            def _():
                idx_start(j + 5)

            @pl.when(j + 2 < chunks)
            def _():
                idx_wait(j + 2)
                gat_start(j + 2)

            gat_wait(j)
            scat_start(j)
            return carry

        lax.fori_loop(0, chunks, body, None)
        scat_wait(chunks - 2)
        scat_wait(chunks - 1)
        plsc.subcore_barrier()

        pltpu.sync_copy(acc.at[pl.ds(base, rows)],
                        out_hbm.at[cid, pl.ds(base, rows)])

    return agg_kernel(h, src4, dst4)


def _scale_body(x_ref, deg_ref, o_ref):
    deg = deg_ref[:, 0] + deg_ref[:, 1]
    norm = lax.rsqrt(jnp.maximum(deg, 1.0))
    o_ref[...] = x_ref[...] * norm[:, None]


def _out_body(p_ref, deg_ref, w_ref, b_ref, o_ref):
    deg = deg_ref[:, 0] + deg_ref[:, 1]
    norm = lax.rsqrt(jnp.maximum(deg, 1.0))
    rst = (p_ref[0] + p_ref[1]) * norm[:, None]
    o_ref[...] = (jnp.dot(rst, w_ref[...], preferred_element_type=jnp.float32)
                  + b_ref[...])


def kernel(x, edge_index, W, b):
    N, D = x.shape
    E = edge_index.shape[1]
    chunks = E // NW // C
    src2d = edge_index[0].reshape(NW, chunks, C)
    dst2d = edge_index[1].reshape(NW, chunks, C)
    src4 = edge_index[0].reshape(NW, chunks, 1, C)
    dst4 = edge_index[1].reshape(NW, chunks, 1, C)

    deg_s, deg_d = _degrees(src2d, dst2d, E, NP)
    deg_s = deg_s[:, :N].T
    deg_d = deg_d[:, :N].T

    R = 5000
    grid = (N // R,)
    h = pl.pallas_call(
        _scale_body,
        grid=grid,
        in_specs=[
            pl.BlockSpec((R, D), lambda i: (i, 0)),
            pl.BlockSpec((R, NC), lambda i: (i, 0)),
        ],
        out_specs=pl.BlockSpec((R, D), lambda i: (i, 0)),
        out_shape=jax.ShapeDtypeStruct((N, D), jnp.float32),
    )(x, deg_s)

    parts = _aggregate(h, src4, dst4, E, NPA, D)

    out = pl.pallas_call(
        _out_body,
        grid=grid,
        in_specs=[
            pl.BlockSpec((NC, R, D), lambda i: (0, i, 0)),
            pl.BlockSpec((R, NC), lambda i: (i, 0)),
            pl.BlockSpec((D, D), lambda i: (0, 0)),
            pl.BlockSpec((1, D), lambda i: (0, 0)),
        ],
        out_specs=pl.BlockSpec((R, D), lambda i: (i, 0)),
        out_shape=jax.ShapeDtypeStruct((N, D), jnp.float32),
    )(parts, deg_d, W, b[None, :])
    return out

# --- scband reference (transcript-rebuilt; emitter-appended) ---
"""Pipeline reference for scband-gcn-65317862637849 (READ-ONLY COPY).

The authoritative reference and input builder live on the scoring server;
editing this copy changes nothing except your own understanding.
"""

import jax, jax.numpy as jnp
import numpy as np

N = 10000
E = 320000
D = 128

def setup_inputs(seed: int = 0) -> dict:
    key = jax.random.key(seed)
    k1, k2, k3 = jax.random.split(key, 3)
    x = jax.random.normal(k1, (N, D), dtype=jnp.float32)
    edge_index = jax.random.randint(k2, (2, E), 0, N, dtype=jnp.int32)
    # GraphConv learned params: weight [in_feats, out_feats] (glorot-ish) and bias [out_feats]
    W = jax.random.normal(k3, (D, D), dtype=jnp.float32) * (1.0 / np.sqrt(D))
    b = jnp.zeros((D,), dtype=jnp.float32)
    return {"x": x, "edge_index": edge_index, "W": W, "b": b}

def reference(x, edge_index, W, b):
    # DGL GraphConv with norm='both', allow_zero_in_degree=True:
    #   h = D_in^{-1/2} A D_out^{-1/2} X W + b  (degrees clamped to min 1)
    src = edge_index[0]
    dst = edge_index[1]
    ones = jnp.ones((src.shape[0],), dtype=x.dtype)
    deg_out = jax.ops.segment_sum(ones, src, num_segments=N)
    norm_src = jnp.power(jnp.clip(deg_out, 1.0), -0.5)
    h = x * norm_src[:, None]
    msg = jnp.take(h, src, axis=0)
    agg = jax.ops.segment_sum(msg, dst, num_segments=N)
    deg_in = jax.ops.segment_sum(ones, dst, num_segments=N)
    norm_dst = jnp.power(jnp.clip(deg_in, 1.0), -0.5)
    rst = agg * norm_dst[:, None]
    out = rst @ W + b
    return out

if __name__ == "__main__":
    import jax
    _d = setup_inputs()
    print(jax.jit(kernel)(*tuple(_d.values())))

</pallas_src>

<mosaic_0001>
#map = affine_map<(d0, d1) -> (0, 0, 0)>
#map1 = affine_map<(d0, d1) -> (0, 0)>
module attributes {stable_mosaic.version = 14 : i64} {
  func.func @deg_kernel(%arg0: i32, %arg1: i32, %arg2: memref<32x125x80xi32, #tpu.memory_space<hbm>>, %arg3: memref<32x125x80xi32, #tpu.memory_space<hbm>>, %arg4: memref<2x10240xf32, #tpu.memory_space<hbm>>, %arg5: memref<2x10240xf32, #tpu.memory_space<hbm>>, %arg6: memref<125x80xi32, #tpu.memory_space<vmem>>, %arg7: memref<125x80xi32, #tpu.memory_space<vmem>>, %arg8: memref<80xf32, #tpu.memory_space<vmem>>, %arg9: memref<640xf32, #tpu.memory_space<vmem>>, %arg10: memref<10240xf32, #tpu.memory_space<vmem_shared>>, %arg11: memref<10240xf32, #tpu.memory_space<vmem_shared>>, %arg12: memref<!tpu.dma_semaphore, #tpu.memory_space<semaphore_mem>>, %arg13: memref<!tpu.dma_semaphore, #tpu.memory_space<semaphore_mem>>) attributes {dimension_semantics = [#tpu.dimension_semantics<core_parallel>, #tpu.dimension_semantics<subcore_parallel>], iteration_bounds = array<i64: 2, 16>, scalar_prefetch = 0 : i64, scratch_operands = 8 : i64, tpu.core_type = #tpu.core_type<sc_vector_subcore>, window_params = [{transform_indices = #map}, {transform_indices = #map}, {transform_indices = #map1}, {transform_indices = #map1}]} {
    %mul3A = arith.constant 16 : i32
    %mul3A_0 = arith.muli %arg0, %mul3A : i32
    %add3A = arith.addi %mul3A_0, %arg1 : i32
    %broadcast_in_dim3A = arith.constant 1.000000e+00 : f32
    %broadcast_in_dim3A_1 = vector.broadcast %broadcast_in_dim3A : f32 to vector<16xf32>
    %scan3A = arith.constant 0 : i32
    %scan3A_2 = arith.constant 5 : i32
    %scan3A_3 = arith.addi %scan3A, %scan3A_2 : i32
    %scan3A_4 = arith.constant 1 : i32
    scf.for %scan3A_36 = %scan3A to %scan3A_3 step %scan3A_4  : i32 {
      %mul3A_37 = arith.constant 16 : i32
      %mul3A_38 = arith.muli %scan3A_36, %mul3A_37 : i32
      %swap3A = arith.index_cast %mul3A_38 : i32 to index
      %swap3A_39 = tpu.vector_load %arg8[%swap3A] {strides = array<i32>} : memref<80xf32, #tpu.memory_space<vmem>>, vector<16xf32>,
      %swap3A_40 = vector.shape_cast %swap3A_39 : vector<16xf32> to vector<16xf32>
      %swap3A_41 = vector.shape_cast %broadcast_in_dim3A_1 : vector<16xf32> to vector<16xf32>
      tpu.vector_store %arg8[%swap3A], %swap3A_41 {strides = array<i32>} : memref<80xf32, #tpu.memory_space<vmem>>, vector<16xf32>,
    }
    %scan3A_5 = arith.constant 5 : i32
    %broadcast_in_dim3A_6 = arith.constant 0.000000e+00 : f32
    %broadcast_in_dim3A_7 = vector.broadcast %broadcast_in_dim3A_6 : f32 to vector<16xf32>
    %scan3A_8 = arith.constant 0 : i32
    %scan3A_9 = arith.constant 40 : i32
    %scan3A_10 = arith.addi %scan3A_8, %scan3A_9 : i32
    %scan3A_11 = arith.constant 1 : i32
    scf.for %scan3A_36 = %scan3A_8 to %scan3A_10 step %scan3A_11  : i32 {
      %mul3A_37 = arith.constant 16 : i32
      %mul3A_38 = arith.muli %scan3A_36, %mul3A_37 : i32
      %swap3A = arith.index_cast %mul3A_38 : i32 to index
      %swap3A_39 = tpu.vector_load %arg9[%swap3A] {strides = array<i32>} : memref<640xf32, #tpu.memory_space<vmem>>, vector<16xf32>,
      %swap3A_40 = vector.shape_cast %swap3A_39 : vector<16xf32> to vector<16xf32>
      %swap3A_41 = vector.shape_cast %broadcast_in_dim3A_7 : vector<16xf32> to vector<16xf32>
      tpu.vector_store %arg9[%swap3A], %swap3A_41 {strides = array<i32>} : memref<640xf32, #tpu.memory_space<vmem>>, vector<16xf32>,
    }
    %scan3A_12 = arith.constant 40 : i32
    "tpu.region"() ({
      %run_scoped3A = tpu.sem_alloc : memref<!tpu.dma_semaphore, #tpu.memory_space<semaphore_mem>>
      %dma_start3A = arith.constant 0 : i32
      %dma_start3A_36 = arith.constant 0 : i32
      %dma_start3A_37 = tpu.memref_slice %arg2[%add3A, %dma_start3A, %dma_start3A_36] : memref<32x125x80xi32, #tpu.memory_space<hbm>> -> memref<1x125x80xi32, #tpu.memory_space<hbm>>
      %dma_start3A_38 = tpu.memref_squeeze %dma_start3A_37 : memref<1x125x80xi32, #tpu.memory_space<hbm>> -> memref<125x80xi32, #tpu.memory_space<hbm>>
      %dma_start3A_39 = arith.constant 0 : i32
      %dma_start3A_40 = arith.constant 0 : i32
      %dma_start3A_41 = tpu.memref_slice %arg2[%add3A, %dma_start3A_39, %dma_start3A_40] : memref<32x125x80xi32, #tpu.memory_space<hbm>> -> memref<1x125x80xi32, #tpu.memory_space<hbm>>
      %dma_start3A_42 = tpu.memref_squeeze %dma_start3A_41 : memref<1x125x80xi32, #tpu.memory_space<hbm>> -> memref<125x80xi32, #tpu.memory_space<hbm>>
      tpu.enqueue_dma source(%dma_start3A_42 : memref<125x80xi32, #tpu.memory_space<hbm>>) target(%arg6 : memref<125x80xi32, #tpu.memory_space<vmem>>) target_semaphore(%run_scoped3A : memref<!tpu.dma_semaphore, #tpu.memory_space<semaphore_mem>>)
      %dma_wait3A = arith.constant 0 : i32
      %dma_wait3A_43 = arith.constant 0 : i32
      %dma_wait3A_44 = tpu.memref_slice %arg2[%add3A, %dma_wait3A, %dma_wait3A_43] : memref<32x125x80xi32, #tpu.memory_space<hbm>> -> memref<1x125x80xi32, #tpu.memory_space<hbm>>
      %dma_wait3A_45 = tpu.memref_squeeze %dma_wait3A_44 : memref<1x125x80xi32, #tpu.memory_space<hbm>> -> memref<125x80xi32, #tpu.memory_space<hbm>>
      %dma_wait3A_46 = arith.constant 0 : i32
      %dma_wait3A_47 = arith.constant 0 : i32
      %dma_wait3A_48 = tpu.memref_slice %arg2[%add3A, %dma_wait3A_46, %dma_wait3A_47] : memref<32x125x80xi32, #tpu.memory_space<hbm>> -> memref<1x125x80xi32, #tpu.memory_space<hbm>>
      %dma_wait3A_49 = tpu.memref_squeeze %dma_wait3A_48 : memref<1x125x80xi32, #tpu.memory_space<hbm>> -> memref<125x80xi32, #tpu.memory_space<hbm>>
      tpu.wait_dma2 semaphore(%run_scoped3A : memref<!tpu.dma_semaphore, #tpu.memory_space<semaphore_mem>>) src(%dma_wait3A_49 : memref<125x80xi32, #tpu.memory_space<hbm>>) dst(%arg6 : memref<125x80xi32, #tpu.memory_space<vmem>>)
      tpu.yield
    }) : () -> ()
    "tpu.region"() ({
      %run_scoped3A = tpu.sem_alloc : memref<!tpu.dma_semaphore, #tpu.memory_space<semaphore_mem>>
      %dma_start3A = arith.constant 0 : i32
      %dma_start3A_36 = arith.constant 0 : i32
      %dma_start3A_37 = tpu.memref_slice %arg3[%add3A, %dma_start3A, %dma_start3A_36] : memref<32x125x80xi32, #tpu.memory_space<hbm>> -> memref<1x125x80xi32, #tpu.memory_space<hbm>>
      %dma_start3A_38 = tpu.memref_squeeze %dma_start3A_37 : memref<1x125x80xi32, #tpu.memory_space<hbm>> -> memref<125x80xi32, #tpu.memory_space<hbm>>
      %dma_start3A_39 = arith.constant 0 : i32
      %dma_start3A_40 = arith.constant 0 : i32
      %dma_start3A_41 = tpu.memref_slice %arg3[%add3A, %dma_start3A_39, %dma_start3A_40] : memref<32x125x80xi32, #tpu.memory_space<hbm>> -> memref<1x125x80xi32, #tpu.memory_space<hbm>>
      %dma_start3A_42 = tpu.memref_squeeze %dma_start3A_41 : memref<1x125x80xi32, #tpu.memory_space<hbm>> -> memref<125x80xi32, #tpu.memory_space<hbm>>
      tpu.enqueue_dma source(%dma_start3A_42 : memref<125x80xi32, #tpu.memory_space<hbm>>) target(%arg7 : memref<125x80xi32, #tpu.memory_space<vmem>>) target_semaphore(%run_scoped3A : memref<!tpu.dma_semaphore, #tpu.memory_space<semaphore_mem>>)
      %dma_wait3A = arith.constant 0 : i32
      %dma_wait3A_43 = arith.constant 0 : i32
      %dma_wait3A_44 = tpu.memref_slice %arg3[%add3A, %dma_wait3A, %dma_wait3A_43] : memref<32x125x80xi32, #tpu.memory_space<hbm>> -> memref<1x125x80xi32, #tpu.memory_space<hbm>>
      %dma_wait3A_45 = tpu.memref_squeeze %dma_wait3A_44 : memref<1x125x80xi32, #tpu.memory_space<hbm>> -> memref<125x80xi32, #tpu.memory_space<hbm>>
      %dma_wait3A_46 = arith.constant 0 : i32
      %dma_wait3A_47 = arith.constant 0 : i32
      %dma_wait3A_48 = tpu.memref_slice %arg3[%add3A, %dma_wait3A_46, %dma_wait3A_47] : memref<32x125x80xi32, #tpu.memory_space<hbm>> -> memref<1x125x80xi32, #tpu.memory_space<hbm>>
      %dma_wait3A_49 = tpu.memref_squeeze %dma_wait3A_48 : memref<1x125x80xi32, #tpu.memory_space<hbm>> -> memref<125x80xi32, #tpu.memory_space<hbm>>
      tpu.wait_dma2 semaphore(%run_scoped3A : memref<!tpu.dma_semaphore, #tpu.memory_space<semaphore_mem>>) src(%dma_wait3A_49 : memref<125x80xi32, #tpu.memory_space<hbm>>) dst(%arg7 : memref<125x80xi32, #tpu.memory_space<vmem>>)
      tpu.yield
    }) : () -> ()
    %mul3A_13 = arith.constant 640 : i32
    %mul3A_14 = arith.muli %arg1, %mul3A_13 : i32
    "tpu.region"() ({
      %run_scoped3A = tpu.sem_alloc : memref<!tpu.dma_semaphore, #tpu.memory_space<semaphore_mem>>
      %dma_start3A = tpu.memref_slice %arg10[%mul3A_14] : memref<10240xf32, #tpu.memory_space<vmem_shared>> -> memref<640xf32, #tpu.memory_space<vmem_shared>>
      %dma_start3A_36 = tpu.memref_slice %arg10[%mul3A_14] : memref<10240xf32, #tpu.memory_space<vmem_shared>> -> memref<640xf32, #tpu.memory_space<vmem_shared>>
      tpu.enqueue_dma source(%arg9 : memref<640xf32, #tpu.memory_space<vmem>>) target(%dma_start3A_36 : memref<640xf32, #tpu.memory_space<vmem_shared>>) target_semaphore(%run_scoped3A : memref<!tpu.dma_semaphore, #tpu.memory_space<semaphore_mem>>)
      %dma_wait3A = tpu.memref_slice %arg10[%mul3A_14] : memref<10240xf32, #tpu.memory_space<vmem_shared>> -> memref<640xf32, #tpu.memory_space<vmem_shared>>
      %dma_wait3A_37 = tpu.memref_slice %arg10[%mul3A_14] : memref<10240xf32, #tpu.memory_space<vmem_shared>> -> memref<640xf32, #tpu.memory_space<vmem_shared>>
      tpu.wait_dma2 semaphore(%run_scoped3A : memref<!tpu.dma_semaphore, #tpu.memory_space<semaphore_mem>>) src(%arg9 : memref<640xf32, #tpu.memory_space<vmem>>) dst(%dma_wait3A_37 : memref<640xf32, #tpu.memory_space<vmem_shared>>)
      tpu.yield
    }) : () -> ()
    %mul3A_15 = arith.constant 640 : i32
    %mul3A_16 = arith.muli %arg1, %mul3A_15 : i32
    "tpu.region"() ({
      %run_scoped3A = tpu.sem_alloc : memref<!tpu.dma_semaphore, #tpu.memory_space<semaphore_mem>>
      %dma_start3A = tpu.memref_slice %arg11[%mul3A_16] : memref<10240xf32, #tpu.memory_space<vmem_shared>> -> memref<640xf32, #tpu.memory_space<vmem_shared>>
      %dma_start3A_36 = tpu.memref_slice %arg11[%mul3A_16] : memref<10240xf32, #tpu.memory_space<vmem_shared>> -> memref<640xf32, #tpu.memory_space<vmem_shared>>
      tpu.enqueue_dma source(%arg9 : memref<640xf32, #tpu.memory_space<vmem>>) target(%dma_start3A_36 : memref<640xf32, #tpu.memory_space<vmem_shared>>) target_semaphore(%run_scoped3A : memref<!tpu.dma_semaphore, #tpu.memory_space<semaphore_mem>>)
      %dma_wait3A = tpu.memref_slice %arg11[%mul3A_16] : memref<10240xf32, #tpu.memory_space<vmem_shared>> -> memref<640xf32, #tpu.memory_space<vmem_shared>>
      %dma_wait3A_37 = tpu.memref_slice %arg11[%mul3A_16] : memref<10240xf32, #tpu.memory_space<vmem_shared>> -> memref<640xf32, #tpu.memory_space<vmem_shared>>
      tpu.wait_dma2 semaphore(%run_scoped3A : memref<!tpu.dma_semaphore, #tpu.memory_space<semaphore_mem>>) src(%arg9 : memref<640xf32, #tpu.memory_space<vmem>>) dst(%dma_wait3A_37 : memref<640xf32, #tpu.memory_space<vmem_shared>>)
      tpu.yield
    }) : () -> ()
    %barrier3A = arith.constant 0 : index
    tpu.barrier barrier_id(%barrier3A)
    %scan3A_17 = arith.constant 0 : i32
    %scan3A_18 = arith.constant 125 : i32
    %scan3A_19 = arith.addi %scan3A_17, %scan3A_18 : i32
    %scan3A_20 = arith.constant 1 : i32
    scf.for %scan3A_36 = %scan3A_17 to %scan3A_19 step %scan3A_20  : i32 {
      %dma_start3A = arith.constant 0 : i32
      %dma_start3A_37 = tpu.memref_slice %arg6[%scan3A_36, %dma_start3A] : memref<125x80xi32, #tpu.memory_space<vmem>> -> memref<1x80xi32, #tpu.memory_space<vmem>>
      %dma_start3A_38 = tpu.memref_squeeze %dma_start3A_37 : memref<1x80xi32, #tpu.memory_space<vmem>> -> memref<80xi32, #tpu.memory_space<vmem>>
      %dma_start3A_39 = arith.constant 0 : i32
      %dma_start3A_40 = tpu.memref_slice %arg10[%dma_start3A_39] : memref<10240xf32, #tpu.memory_space<vmem_shared>> -> memref<10240xf32, #tpu.memory_space<vmem_shared>>
      tpu.enqueue_indirect_dma source(%arg8 : memref<80xf32, #tpu.memory_space<vmem>>) target(%dma_start3A_40 : memref<10240xf32, #tpu.memory_space<vmem_shared>>) offsets(%dma_start3A_38 : memref<80xi32, #tpu.memory_space<vmem>>) semaphore(%arg12 : memref<!tpu.dma_semaphore, #tpu.memory_space<semaphore_mem>>) {add = true}
      %dma_start3A_41 = arith.constant 0 : i32
      %dma_start3A_42 = tpu.memref_slice %arg7[%scan3A_36, %dma_start3A_41] : memref<125x80xi32, #tpu.memory_space<vmem>> -> memref<1x80xi32, #tpu.memory_space<vmem>>
      %dma_start3A_43 = tpu.memref_squeeze %dma_start3A_42 : memref<1x80xi32, #tpu.memory_space<vmem>> -> memref<80xi32, #tpu.memory_space<vmem>>
      %dma_start3A_44 = arith.constant 0 : i32
      %dma_start3A_45 = tpu.memref_slice %arg11[%dma_start3A_44] : memref<10240xf32, #tpu.memory_space<vmem_shared>> -> memref<10240xf32, #tpu.memory_space<vmem_shared>>
      tpu.enqueue_indirect_dma source(%arg8 : memref<80xf32, #tpu.memory_space<vmem>>) target(%dma_start3A_45 : memref<10240xf32, #tpu.memory_space<vmem_shared>>) offsets(%dma_start3A_43 : memref<80xi32, #tpu.memory_space<vmem>>) semaphore(%arg13 : memref<!tpu.dma_semaphore, #tpu.memory_space<semaphore_mem>>) {add = true}
      %ge3A = arith.constant 4 : i32
      %ge3A_46 = arith.cmpi sge, %scan3A_36, %ge3A : i32
      %convert_element_type3A = arith.extui %ge3A_46 : i1 to i32
      %cond3A = arith.constant 0 : i32
      %cond3A_47 = arith.cmpi ne, %convert_element_type3A, %cond3A : i32
      scf.if %cond3A_47 {
        %sub3A = arith.constant 4 : i32
        %sub3A_48 = arith.subi %scan3A_36, %sub3A : i32
        %dma_wait3A = arith.constant 0 : i32
        %dma_wait3A_49 = tpu.memref_slice %arg6[%sub3A_48, %dma_wait3A] : memref<125x80xi32, #tpu.memory_space<vmem>> -> memref<1x80xi32, #tpu.memory_space<vmem>>
        %dma_wait3A_50 = tpu.memref_squeeze %dma_wait3A_49 : memref<1x80xi32, #tpu.memory_space<vmem>> -> memref<80xi32, #tpu.memory_space<vmem>>
        %dma_wait3A_51 = arith.constant 0 : i32
        %dma_wait3A_52 = tpu.memref_slice %arg10[%dma_wait3A_51] : memref<10240xf32, #tpu.memory_space<vmem_shared>> -> memref<10240xf32, #tpu.memory_space<vmem_shared>>
        tpu.wait_indirect_dma semaphore(%arg12 : memref<!tpu.dma_semaphore, #tpu.memory_space<semaphore_mem>>) src(%arg8 : memref<80xf32, #tpu.memory_space<vmem>>) dst(%dma_wait3A_52 : memref<10240xf32, #tpu.memory_space<vmem_shared>>)
        %dma_wait3A_53 = arith.constant 0 : i32
        %dma_wait3A_54 = tpu.memref_slice %arg7[%sub3A_48, %dma_wait3A_53] : memref<125x80xi32, #tpu.memory_space<vmem>> -> memref<1x80xi32, #tpu.memory_space<vmem>>
        %dma_wait3A_55 = tpu.memref_squeeze %dma_wait3A_54 : memref<1x80xi32, #tpu.memory_space<vmem>> -> memref<80xi32, #tpu.memory_space<vmem>>
        %dma_wait3A_56 = arith.constant 0 : i32
        %dma_wait3A_57 = tpu.memref_slice %arg11[%dma_wait3A_56] : memref<10240xf32, #tpu.memory_space<vmem_shared>> -> memref<10240xf32, #tpu.memory_space<vmem_shared>>
        tpu.wait_indirect_dma semaphore(%arg13 : memref<!tpu.dma_semaphore, #tpu.memory_space<semaphore_mem>>) src(%arg8 : memref<80xf32, #tpu.memory_space<vmem>>) dst(%dma_wait3A_57 : memref<10240xf32, #tpu.memory_space<vmem_shared>>)
      } else {
      }
    }
    %scan3A_21 = arith.constant 125 : i32
    %scan3A_22 = arith.constant 121 : i32
    %scan3A_23 = arith.constant 4 : i32
    %scan3A_24 = arith.addi %scan3A_22, %scan3A_23 : i32
    %scan3A_25 = arith.constant 1 : i32
    scf.for %scan3A_36 = %scan3A_22 to %scan3A_24 step %scan3A_25  : i32 {
      %dma_wait3A = arith.constant 0 : i32
      %dma_wait3A_37 = tpu.memref_slice %arg6[%scan3A_36, %dma_wait3A] : memref<125x80xi32, #tpu.memory_space<vmem>> -> memref<1x80xi32, #tpu.memory_space<vmem>>
      %dma_wait3A_38 = tpu.memref_squeeze %dma_wait3A_37 : memref<1x80xi32, #tpu.memory_space<vmem>> -> memref<80xi32, #tpu.memory_space<vmem>>
      %dma_wait3A_39 = arith.constant 0 : i32
      %dma_wait3A_40 = tpu.memref_slice %arg10[%dma_wait3A_39] : memref<10240xf32, #tpu.memory_space<vmem_shared>> -> memref<10240xf32, #tpu.memory_space<vmem_shared>>
      tpu.wait_indirect_dma semaphore(%arg12 : memref<!tpu.dma_semaphore, #tpu.memory_space<semaphore_mem>>) src(%arg8 : memref<80xf32, #tpu.memory_space<vmem>>) dst(%dma_wait3A_40 : memref<10240xf32, #tpu.memory_space<vmem_shared>>)
      %dma_wait3A_41 = arith.constant 0 : i32
      %dma_wait3A_42 = tpu.memref_slice %arg7[%scan3A_36, %dma_wait3A_41] : memref<125x80xi32, #tpu.memory_space<vmem>> -> memref<1x80xi32, #tpu.memory_space<vmem>>
      %dma_wait3A_43 = tpu.memref_squeeze %dma_wait3A_42 : memref<1x80xi32, #tpu.memory_space<vmem>> -> memref<80xi32, #tpu.memory_space<vmem>>
      %dma_wait3A_44 = arith.constant 0 : i32
      %dma_wait3A_45 = tpu.memref_slice %arg11[%dma_wait3A_44] : memref<10240xf32, #tpu.memory_space<vmem_shared>> -> memref<10240xf32, #tpu.memory_space<vmem_shared>>
      tpu.wait_indirect_dma semaphore(%arg13 : memref<!tpu.dma_semaphore, #tpu.memory_space<semaphore_mem>>) src(%arg8 : memref<80xf32, #tpu.memory_space<vmem>>) dst(%dma_wait3A_45 : memref<10240xf32, #tpu.memory_space<vmem_shared>>)
    }
    %scan3A_26 = arith.constant 4 : i32
    %barrier3A_27 = arith.constant 0 : index
    tpu.barrier barrier_id(%barrier3A_27)
    %mul3A_28 = arith.constant 640 : i32
    %mul3A_29 = arith.muli %arg1, %mul3A_28 : i32
    %mul3A_30 = arith.constant 640 : i32
    %mul3A_31 = arith.muli %arg1, %mul3A_30 : i32
    "tpu.region"() ({
      %run_scoped3A = tpu.sem_alloc : memref<!tpu.dma_semaphore, #tpu.memory_space<semaphore_mem>>
      %dma_start3A = tpu.memref_slice %arg4[%arg0, %mul3A_31] : memref<2x10240xf32, #tpu.memory_space<hbm>> -> memref<1x640xf32, #tpu.memory_space<hbm>>
      %dma_start3A_36 = tpu.memref_squeeze %dma_start3A : memref<1x640xf32, #tpu.memory_space<hbm>> -> memref<640xf32, #tpu.memory_space<hbm>>
      %dma_start3A_37 = tpu.memref_slice %arg10[%mul3A_29] : memref<10240xf32, #tpu.memory_space<vmem_shared>> -> memref<640xf32, #tpu.memory_space<vmem_shared>>
      tpu.enqueue_dma source(%dma_start3A_37 : memref<640xf32, #tpu.memory_space<vmem_shared>>) target(%dma_start3A_36 : memref<640xf32, #tpu.memory_space<hbm>>) target_semaphore(%run_scoped3A : memref<!tpu.dma_semaphore, #tpu.memory_space<semaphore_mem>>)
      %dma_wait3A = tpu.memref_slice %arg4[%arg0, %mul3A_31] : memref<2x10240xf32, #tpu.memory_space<hbm>> -> memref<1x640xf32, #tpu.memory_space<hbm>>
      %dma_wait3A_38 = tpu.memref_squeeze %dma_wait3A : memref<1x640xf32, #tpu.memory_space<hbm>> -> memref<640xf32, #tpu.memory_space<hbm>>
      %dma_wait3A_39 = tpu.memref_slice %arg10[%mul3A_29] : memref<10240xf32, #tpu.memory_space<vmem_shared>> -> memref<640xf32, #tpu.memory_space<vmem_shared>>
      tpu.wait_dma2 semaphore(%run_scoped3A : memref<!tpu.dma_semaphore, #tpu.memory_space<semaphore_mem>>) src(%dma_wait3A_39 : memref<640xf32, #tpu.memory_space<vmem_shared>>) dst(%dma_wait3A_38 : memref<640xf32, #tpu.memory_space<hbm>>)
      tpu.yield
    }) : () -> ()
    %mul3A_32 = arith.constant 640 : i32
    %mul3A_33 = arith.muli %arg1, %mul3A_32 : i32
    %mul3A_34 = arith.constant 640 : i32
    %mul3A_35 = arith.muli %arg1, %mul3A_34 : i32
    "tpu.region"() ({
      %run_scoped3A = tpu.sem_alloc : memref<!tpu.dma_semaphore, #tpu.memory_space<semaphore_mem>>
      %dma_start3A = tpu.memref_slice %arg5[%arg0, %mul3A_35] : memref<2x10240xf32, #tpu.memory_space<hbm>> -> memref<1x640xf32, #tpu.memory_space<hbm>>
      %dma_start3A_36 = tpu.memref_squeeze %dma_start3A : memref<1x640xf32, #tpu.memory_space<hbm>> -> memref<640xf32, #tpu.memory_space<hbm>>
      %dma_start3A_37 = tpu.memref_slice %arg11[%mul3A_33] : memref<10240xf32, #tpu.memory_space<vmem_shared>> -> memref<640xf32, #tpu.memory_space<vmem_shared>>
      tpu.enqueue_dma source(%dma_start3A_37 : memref<640xf32, #tpu.memory_space<vmem_shared>>) target(%dma_start3A_36 : memref<640xf32, #tpu.memory_space<hbm>>) target_semaphore(%run_scoped3A : memref<!tpu.dma_semaphore, #tpu.memory_space<semaphore_mem>>)
      %dma_wait3A = tpu.memref_slice %arg5[%arg0, %mul3A_35] : memref<2x10240xf32, #tpu.memory_space<hbm>> -> memref<1x640xf32, #tpu.memory_space<hbm>>
      %dma_wait3A_38 = tpu.memref_squeeze %dma_wait3A : memref<1x640xf32, #tpu.memory_space<hbm>> -> memref<640xf32, #tpu.memory_space<hbm>>
      %dma_wait3A_39 = tpu.memref_slice %arg11[%mul3A_33] : memref<10240xf32, #tpu.memory_space<vmem_shared>> -> memref<640xf32, #tpu.memory_space<vmem_shared>>
      tpu.wait_dma2 semaphore(%run_scoped3A : memref<!tpu.dma_semaphore, #tpu.memory_space<semaphore_mem>>) src(%dma_wait3A_39 : memref<640xf32, #tpu.memory_space<vmem_shared>>) dst(%dma_wait3A_38 : memref<640xf32, #tpu.memory_space<hbm>>)
      tpu.yield
    }) : () -> ()
    return
  }
}

</mosaic_0001>

<sc_bundles>
// kernel: _degrees.3.cloned.1.call-start
scs
__scs_entry_jumppad:
0x0: {  	(pc) =	sbr.rel $0x88, $3  }
0x1: {  	(tag) =	ssettag $0x0;
	lr =	simm.s32 $0x1  }
0x2: {  	[smem:$0x3F9F] =	sst lr;
	_ =	strace $0xD0000000  }
0x3: {  	_ = 	snop  }
0x4: {  	_ = 	snop  }
0x5: {  	_ = 	snop  }
0x6: {  	_ = 	snop  }
0x7: {  	_ = 	snop  }
__scs_overlays_trampoline_lowered:
0x8: {  	[smem:$0x3FAE] =	sst s0  }
0x9: {  	[smem:$0x3FAF] =	sst s1  }
0xa: {  	[smem:$0x3FB0] =	sst s2  }
0xb: {  	[smem:$0x3FB1] =	sst s3  }
0xc: {  	[smem:$0x3FB2] =	sst s4  }
0xd: {  	[smem:$0x3FB3] =	sst s5  }
0xe: {  	[smem:$0x3FB4] =	sst s6  }
0xf: {  	[smem:$0x3FB5] =	sst s7  }
0x10: {  	[smem:$0x3FB6] =	sst s8  }
0x11: {  	[smem:$0x3FB7] =	sst s9;
	s0 =	simm.s32 @!p0 $0x0  }
0x12: {  	s1 =	sld [smem:$0x3F9D];
	s0 =	simm.s32 @p0 $0x1  }
0x13: {  	[smem:$0x3FB8] =	sst s0;
	s0 =	simm.s32 @!p1 $0x0  }
0x14: {  	s2 =	sld [smem:$0x3F9C];
	s0 =	simm.s32 @p1 $0x1  }
0x15: {  	[smem:$0x3FB9] =	sst s0;
	s0 =	simm.s32 @!p2 $0x0  }
0x16: {  	s3 =	sld [smem:$0x3FDB];
	s0 =	simm.s32 @p2 $0x1  }
0x17: {  	s4 =	simm.s32 $0x1BF5;
	[smem:$0x3FBB] =	sst s0  }
0x18: {  	s0 =	sld [smem:$0x3F9E];
	_ =	swait.ge [sflag:s4], $0x0  }
0x19: {  	s7 =	sld [smem:$0x3F9F]  }
0x1a: {  	s8 =	sadd.s32 $0xFFFFE003, lr  }
0x1b: {  	s9 =	sadd.s32 $0xFFFFFEF7, lr;
	s5 =	simm.s32 $0xFFFFFFFF;
	p2 =	slt.u32 s8, $0xFFFFF086  }
0x1c: {  	p1 =	slt.u32 s9, $0xF7A;
	s5 =	simm.s32 @!p2 $0x0  }
0x1d: {  	s5 =	simm.s32 @p1 $0x1;
	p0 =	seq.s32 s7, s2  }
0x1e: {  	s7 =	smul.u32 @!p0 $0xF7A, s2;
	p2 =	seq.s32 @!p0 s5, $0x0  }
0x1f: {  	s9 =	smul.u32 $0xF7A, s1;
	s8 =	simm.s32 @!p0 $0x1BF5;
	p2 =	por !p2, p0  }
0x20: {  	[sflag:s8] =	ssyncset.s32 @!p0 $0xFFFFF086;
	s6 =	sadd.s32 @!p0 s3, s7;
	s7 =	simm.s32 @!p0 $0x108  }
0x21: {  	s3 =	sadd.s32 s3, s9;
	s6 =	sadd.s32 @!p0 $0x88, s6;
	s7 =	simm.s32 @p2 $0x1082  }
0x22: {  	[simem:s7], [sflag:s8] =	dma.local @!p0 [hbm:s6], $0xF7A  }
0x23: {  	s9 =	sor.u32 $0xD0000000, s2;
	s6 =	simm.s32 $0x108;
	_ =	swait.ge @!p0 [sflag:s8], $0x0  }
0x24: {  	s3 =	sadd.s32 $0x88, s3;
	s6 =	simm.s32 @!p1 $0x1082;
	[sflag:s4] =	ssyncset.s32 $0xFFFFF086  }
0x25: {  	[simem:s6], [sflag:s4] =	dma.local [hbm:s3], $0xF7A  }
0x26: {  	[smem:$0x3F9F] =	sst s1;
	(tag) =	ssettag s2;
	_ =	strace s9  }
0x27: {  	s1 =	sld [smem:$0x3FAF]  }
0x28: {  	s2 =	sld [smem:$0x3FB0]  }
0x29: {  	s4 =	sld [smem:$0x3FB2]  }
0x2a: {  	p0 =	seq.s32 s5, $0x0;
	s5 =	sld [smem:$0x3FB3]  }
0x2b: {  	s6 =	sld [smem:$0x3FB4]  }
0x2c: {  	s7 =	sld [smem:$0x3FB5]  }
0x2d: {  	s3 =	simm.s32 $0x108;
	s8 =	sld [smem:$0x3FB6]  }
0x2e: {  	s3 =	simm.s32 @!p0 $0x1082;
	s9 =	sld [smem:$0x3FB7]  }
0x2f: {  	lr =	sadd.s32 s0, s3;
	s0 =	sld [smem:$0x3FAE]  }
0x30: {  	s3 =	sld [smem:$0x3FB1]  }
0x31: {  	[smem:$0x3FBA] =	sst s10  }
0x32: {  	s10 =	sld [smem:$0x3FB8];
	_ =	sdelay $0x3  }
0x33: {  	p0 =	seq.s32 s10, $0x1;
	s10 =	sld [smem:$0x3FBA];
	_ =	sdelay $0x3  }
0x34: {  	[smem:$0x3FBA] =	sst s10  }
0x35: {  	s10 =	sld [smem:$0x3FB9];
	_ =	sdelay $0x3  }
0x36: {  	p1 =	seq.s32 s10, $0x1;
	s10 =	sld [smem:$0x3FBA];
	_ =	sdelay $0x3  }
0x37: {  	[smem:$0x3FBA] =	sst s10  }
0x38: {  	s10 =	sld [smem:$0x3FBB]  }
0x39: {  	_ = 	snop;
	(pc) =	sbr.ind lr, $3  }
0x3a: {  	_ = 	snop  }
0x3b: {  	_ = 	snop  }
0x3c: {  	p2 =	seq.s32 s10, $0x1;
	s10 =	sld [smem:$0x3FBA]  }
0x3d: {  	_ =	shalt  }
0x3e: {  	_ =	shalt  }
0x3f: {  	_ =	shalt  }
0x40: {  	_ =	shalt  }
0x41: {  	_ =	shalt  }
0x42: {  	_ =	shalt  }
0x43: {  	_ =	shalt  }
0x44: {  	_ =	shalt  }
0x45: {  	_ =	shalt  }
0x46: {  	_ =	shalt  }
0x47: {  	_ =	shalt  }
0x48: {  	_ =	shalt  }
0x49: {  	_ =	shalt  }
0x4a: {  	_ =	shalt  }
0x4b: {  	_ =	shalt  }
0x4c: {  	_ =	shalt  }
0x4d: {  	_ =	shalt  }
0x4e: {  	_ =	shalt  }
0x4f: {  	_ =	shalt  }
0x50: {  	_ =	shalt  }
0x51: {  	_ =	shalt  }
0x52: {  	_ =	shalt  }
0x53: {  	_ =	shalt  }
0x54: {  	_ =	shalt  }
0x55: {  	_ =	shalt  }
0x56: {  	_ =	shalt  }
0x57: {  	_ =	shalt  }
0x58: {  	_ =	shalt  }
0x59: {  	_ =	shalt  }
0x5a: {  	_ =	shalt  }
0x5b: {  	_ =	shalt  }
0x5c: {  	_ =	shalt  }
0x5d: {  	_ =	shalt  }
0x5e: {  	_ =	shalt  }
0x5f: {  	_ =	shalt  }
0x60: {  	_ =	shalt  }
0x61: {  	_ =	shalt  }
0x62: {  	_ =	shalt  }
0x63: {  	_ =	shalt  }
0x64: {  	_ =	shalt  }
0x65: {  	_ =	shalt  }
0x66: {  	_ =	shalt  }
0x67: {  	_ =	shalt  }
0x68: {  	_ =	shalt  }
0x69: {  	_ =	shalt  }
0x6a: {  	_ =	shalt  }
0x6b: {  	_ =	shalt  }
0x6c: {  	_ =	shalt  }
0x6d: {  	_ =	shalt  }
0x6e: {  	_ =	shalt  }
0x6f: {  	_ =	shalt  }
0x70: {  	_ =	shalt  }
0x71: {  	_ =	shalt  }
0x72: {  	_ =	shalt  }
0x73: {  	_ =	shalt  }
0x74: {  	_ =	shalt  }
0x75: {  	_ =	shalt  }
0x76: {  	_ =	shalt  }
0x77: {  	_ =	shalt  }
0x78: {  	_ =	shalt  }
0x79: {  	_ =	shalt  }
0x7a: {  	_ =	shalt  }
0x7b: {  	_ =	shalt  }
0x7c: {  	_ =	shalt  }
0x7d: {  	_ =	shalt  }
0x7e: {  	_ =	shalt  }
0x7f: {  	_ =	shalt  }
0x80: {  	_ =	shalt  }
0x81: {  	_ =	shalt  }
0x82: {  	_ =	shalt  }
0x83: {  	_ =	shalt  }
0x84: {  	_ =	shalt  }
0x85: {  	_ =	shalt  }
0x86: {  	_ =	shalt  }
0x87: {  	_ =	shalt  }
.Lfunc_end0:
.L_simem_size_0:
called_computation_lowered:
.L_overlay_start_0:
0x88: {  	s2 =	sld [smem:$0x3FD9]  }
0x89: {  	s3 =	sld [smem:$0x3FFE];
	_ =	sdelay $0x1  }
0x8a: {  	s1 =	srdreg.scid  }
0x8b: {  	s0 =	sand.u32 $0x1, s1  }
0x8c: {  	s14 =	sshll.u32 s0, $0xA;
	s2 =	sadd.s32 s3, s2  }
0x8d: {  	s2 =	sadd.s32 s2, s14  }
0x8e: {  	[smem:$0x3FC6] =	sst s2  }
0x8f: {  	_ = 	snop  }
0x90: {  	s2 =	sld [smem:$0x3FD0];
	_ =	sdelay $0x2  }
0x91: {  	s15 =	simm.s32 $0xA;
	s4 =	simm.s32 $0x10  }
0x92: {  	[smem:s4], [sflag:s15] =	dma.local [hbm:s2], $0x1  }
0x93: {  	_ =	swait.eq [sflag:s15], $0x1  }
0x94: {  	[sflag:s15] =	ssyncset.done $0x0  }
0x95: {  	s16 =	sld [smem:$0x10];
	[sflag:s15] =	ssyncadd.s32 $0xFFFFFFFF  }
0x96: {  	s17 =	sld [smem:$0x11];
	(tm) =	ssettm $0x1  }
0x97: {  	s18 =	sld [smem:$0x3FFB];
	_ =	sdelay $0x3  }
0x98: {  	_ =	strace s18  }
0x99: {  	s4 =	sld [smem:$0x3FFC];
	_ =	sdelay $0x3  }
0x9a: {  	_ =	strace s4  }
0x9b: {  	s4 =	sld [smem:$0x3FFD];
	_ =	sdelay $0x3  }
0x9c: {  	_ =	strace s4  }
0x9d: {  	_ =	strace $0x8FFFFFFF  }
0x9e: {  	s19 =	sld [smem:$0x3FDB];
	_ =	sdelay $0x1  }
0x9f: {  	s5 =	simm.s32 $_scs_section_size  }
0xa0: {  	s6 =	simm.s32 $_size__tile_overlayer_lowered;
	s7 =	simm.s32 $_tile_overlayer_lowered  }
0xa1: {  	s22 =	simm.s32 $0x1BFF;
	s21 =	sshll.u32 s7, $0x1;
	s4 =	sadd.s32 s5, s19  }
0xa2: {  	s8 =	simm.s32 $0x0;
	s20 =	sshll.u32 s6, $0x1;
	s6 =	sadd.s32 s21, s4  }
0xa3: {  	[timem:s8], [sflag:s22] =	dma.local [hbm:s6], s20  }
0xa4: {  	_ =	swait.ge [sflag:s22], s20  }
0xa5: {  	s5 =	ssub.s32 $0x0, s20;
	[sflag:s22] =	ssyncset.done $0x0  }
0xa6: {  	[sflag:s22] =	ssyncadd.s32 s5;
	_ =	sdelay $0x1  }
0xa7: {  	s23 =	simm.s32 $0x1B8B  }
0xa8: {  	_ =	swait.ge [sflag:s23], $0x1  }
0xa9: {  	[sflag:s23] =	ssyncset.done $0x0  }
0xaa: {  	s25 =	simm.s32 $0x1B8E;
	s24 =	sld [smem:$0x3FFE];
	[sflag:s23] =	ssyncadd.s32 $0xFFFFFFFF  }
0xab: {  	s26 =	simm.s32 $execute0_lowered;
	[smem:$0x3FD2] =	sst s25  }
0xac: {  	s6 =	sshll.u32 s26, $0x1;
	_ =	strace $0x80000046;
	[dreg:$0x1] =	wrdreg $0xFFFFFFFF  }
0xad: {  	s28 =	simm.s32 $_size_execute0_lowered;
	s4 =	sadd.s32 s4, s6;
	[dreg:$0x0] =	wrdreg $0x0  }
0xae: {  	s6 =	sshll.u32 s28, $0x1;
	[dreg:$0x2] =	wrdreg s4  }
0xaf: {  	[dreg:$0x3] =	wrdreg s6  }
0xb0: {  	[dreg:$0x4] =	wrdreg $0xC0  }
0xb1: {  	_ =	task [dreg:s8], $0x5FFFF  }
0xb2: {  	[dreg:$0x1] =	wrdreg $0xFFFFFFFF  }
0xb3: {  	[dreg:$0x0] =	wrdreg $0x60  }
0xb4: {  	[dreg:$0x2] =	wrdreg s24  }
0xb5: {  	[dreg:$0x3] =	wrdreg s16  }
0xb6: {  	[dreg:$0x4] =	wrdreg s17  }
0xb7: {  	[dreg:$0x5] =	wrdreg $0x83000  }
0xb8: {  	[dreg:$0x6] =	wrdreg $0x85800  }
0xb9: {  	[dreg:$0x7] =	wrdreg $0x9  }
0xba: {  	_ =	task.clear_ibuf [dreg:s8], $0x8FFFF;
	_ =	strace $0x90000046  }
0xbb: {  	s29 =	simm.s32 $0x9;
	_ =	strace $0x80000048  }
0xbc: {  	_ =	swait.ge [sflag:s29], $0x1  }
0xbd: {  	[sflag:s29] =	ssyncadd.s32 $0xFFFFFFFF  }
0xbe: {  	_ =	strace $0x90000048  }
0xbf: {  	_ =	sfence  }
0xc0: {  	s30 =	sld [smem:$0x0];
	_ =	sdelay $0x2  }
0xc1: {  	s31 =	sshll.u32 s1, $0xD;
	s1 =	sshrl.u32 s1, $0x2  }
0xc2: {  	s3 =	sand.u32 $0x4000, s31;
	s1 =	sadd.s32 s1, s30  }
0xc3: {  	s0 =	sor.u32 s3, s0;
	s1 =	sshll.u32 s1, $0x11  }
0xc4: {  	s0 =	sor.u32 s1, s0  }
0xc5: {  	s0 =	sadd.s32 $0x8F2B, s0  }
0xc6: {  	[sflag:s0] =	ssyncadd.remote.s32 $0x1  }
0xc7: {  	_ =	sfence.sel $0xFFFF  }
0xc8: {  	[dreg:$0x0] =	wrdreg $0xFFFFFFFF;
	(pc) =	sbr.abs _section_cstart, $3  }
0xc9: {  	[dreg:$0x1] =	wrdreg $0xFFFFFFFF  }
0xca: {  	_ =	task.clear_ibuf [dreg:s8], $0x2FFFF;
	_ =	strace $0x9FFFFFFF  }
0xcb: {  	(tm) =	ssettm $0x7FFFFFFF  }
tec
execute0_lowered:
.L_overlay_start_1:
0x0: {  	(tag) =	ssettag $0x1  }
0x1: {  	s5 =	rddreg [dreg:$0x0]  }
0x2: {  	s9 =	rddreg [dreg:$0x1]  }
0x3: {  	s10 =	rddreg [dreg:$0x2]  }
0x4: {  	s1 =	rddreg [dreg:$0x3]  }
0x5: {  	s3 =	rddreg [dreg:$0x4];
	s6 =	srdreg.scid  }
0x6: {  	s4 =	simm.s32 $0x0;
	s0 =	stileid.u32;
	s14 =	simm.s32 $0x8080  }
0x7: {  	s15 =	simm.s32 $0x50;
	s16 =	simm.s32 $0x8000;
	s17 =	simm.s32 $0x80  }
0x8: {  	s18 =	simm.s32 $0x4080;
	s19 =	simm.s32 $0x100;
	s20 =	simm.s32 $0x4100  }
0x9: {  	s21 =	simm.s32 $0x180;
	s22 =	simm.s32 $0x4180;
	s23 =	simm.s32 $0x1  }
0xa: {  	s24 =	simm.s32 $0x2;
	s28 =	simm.s32 $0x10;
	s29 =	simm.s32 $0x0  }
0xb: {  	s6 =	sand.u32 $0x1, s6;
	[smem:$0x7FF] =	sst s4;
	s11 =	smul.u32 $0x500, s0  }
0xc: {  	s8 =	sshll.u32 s0, $0xB;
	s31 =	smul.u32 $0x280, s0;
	s25 =	sshll.u32 s0, $0x6  }
0xd: {  	s7 =	sshll.u32 s6, $0xF;
	_ =	strace $0x80000047;
	s26 =	ssub.s32 $0x2, s6  }
0xe: {  	s13 =	sshll.u32 s6, $0x7;
	s25 =	sor.u32 $0x1C03, s25;
	s7 =	sor.u32 s8, s7  }
0xf: {  	s30 =	sshrl.u32 s26, $0x1;
	s11 =	sor.u32 s13, s11;
	s8 =	sadd.s32 s31, s3  }
0x10: {  	s13 =	simm.s32 $0x4000;
	s7 =	sadd.s32 s7, s5;
	s12 =	ssub.s32 s26, s30  }
0x11: {  	s11 =	sshrl.u32 s11, $0x3;
	s26 =	simm.s32 $0x20;
	s5 =	sadd.s32 $0x800, s7  }
0x12: {  	s6 =	sadd.s32 $0x10800, s7;
	s7 =	sadd.s32 s31, s1;
	s9 =	sadd.s32 s9, s11  }
0x13: {  	v0 =	vimm.f32 $1.000000000e+00;
	v1 =	vimm.f32 $0.0e+00;
	s10 =	sadd.s32 s10, s11;
	s11 =	smax.u32 s12, $0x1;
	s12 =	simm.s32 $0x3  }
.LBB2_1:
0x14: {  	[tilespmem:$0x8000] =	vst v0  }
0x15: {  	[tilespmem:$0x8010] =	vst v0  }
0x16: {  	[tilespmem:$0x8020] =	vst v0  }
0x17: {  	[tilespmem:$0x8030] =	vst v0  }
0x18: {  	[tilespmem:$0x8040] =	vst v0  }
0x19: {  	[tilespmem:$0x8080] =	vst v1  }
0x1a: {  	[tilespmem:$0x8090] =	vst v1  }
0x1b: {  	[tilespmem:$0x80A0] =	vst v1  }
0x1c: {  	[tilespmem:$0x80B0] =	vst v1  }
0x1d: {  	[tilespmem:$0x80C0] =	vst v1  }
0x1e: {  	[tilespmem:$0x80D0] =	vst v1  }
0x1f: {  	[tilespmem:$0x80E0] =	vst v1  }
0x20: {  	[tilespmem:$0x80F0] =	vst v1  }
0x21: {  	[tilespmem:$0x8100] =	vst v1  }
0x22: {  	[tilespmem:$0x8110] =	vst v1  }
0x23: {  	[tilespmem:$0x8120] =	vst v1  }
0x24: {  	[tilespmem:$0x8130] =	vst v1  }
0x25: {  	[tilespmem:$0x8140] =	vst v1  }
0x26: {  	[tilespmem:$0x8150] =	vst v1  }
0x27: {  	[tilespmem:$0x8160] =	vst v1  }
0x28: {  	[tilespmem:$0x8170] =	vst v1  }
0x29: {  	[tilespmem:$0x8180] =	vst v1  }
0x2a: {  	[tilespmem:$0x8190] =	vst v1  }
0x2b: {  	[tilespmem:$0x81A0] =	vst v1  }
0x2c: {  	[tilespmem:$0x81B0] =	vst v1  }
0x2d: {  	[tilespmem:$0x81C0] =	vst v1  }
0x2e: {  	[tilespmem:$0x81D0] =	vst v1  }
0x2f: {  	[tilespmem:$0x81E0] =	vst v1  }
0x30: {  	[tilespmem:$0x81F0] =	vst v1  }
0x31: {  	[tilespmem:$0x8200] =	vst v1  }
0x32: {  	[tilespmem:$0x8210] =	vst v1  }
0x33: {  	[tilespmem:$0x8220] =	vst v1  }
0x34: {  	[tilespmem:$0x8230] =	vst v1  }
0x35: {  	[tilespmem:$0x8240] =	vst v1  }
0x36: {  	[tilespmem:$0x8250] =	vst v1  }
0x37: {  	[tilespmem:$0x8260] =	vst v1  }
0x38: {  	[tilespmem:$0x8270] =	vst v1  }
0x39: {  	[tilespmem:$0x8280] =	vst v1  }
0x3a: {  	[tilespmem:$0x8290] =	vst v1  }
0x3b: {  	[tilespmem:$0x82A0] =	vst v1  }
0x3c: {  	[tilespmem:$0x82B0] =	vst v1  }
0x3d: {  	[tilespmem:$0x82C0] =	vst v1  }
0x3e: {  	[tilespmem:$0x82D0] =	vst v1  }
0x3f: {  	[tilespmem:$0x82E0] =	vst v1  }
0x40: {  	[tilespmem:$0x82F0] =	vst v1  }
0x41: {  	[tilespmem:s4], [sflag:$0x3] =	stream.linear.gather [hbm4b:s5+s4], $0x3E80, $0x38;
	[tilespmem:$0x8800] =	vst v63  }
0x42: {  	_ =	swait.ge [sflag:s12], $0x3E80  }
0x43: {  	[sflag:s12] =	ssyncset.done $0x0  }
0x44: {  	[sflag:s12] =	ssyncadd.s32 $0xFFFFC180  }
0x45: {  	[tilespmem:s13], [sflag:$0x3] =	stream.linear.gather [hbm4b:s6+s4], $0x3E80, $0x38;
	[tilespmem:$0x8800] =	vst v63  }
0x46: {  	_ =	swait.ge [sflag:s12], $0x3E80  }
0x47: {  	[sflag:s12] =	ssyncset.done $0x0  }
0x48: {  	[sflag:s12] =	ssyncadd.s32 $0xFFFFC180  }
0x49: {  	[spmem:s7] =	stream.linear.scatter [tilespmem:s14], [sflag:$0x3], $0x280, $0x38;
	[tilespmem:$0x8800] =	vst v63  }
0x4a: {  	_ =	swait.ge [sflag:s12], $0x280  }
0x4b: {  	[sflag:s12] =	ssyncset.done $0x0  }
0x4c: {  	[sflag:s12] =	ssyncadd.s32 $0xFFFFFD80  }
0x4d: {  	[spmem:s8] =	stream.linear.scatter [tilespmem:s14], [sflag:$0x3], $0x280, $0x38;
	[tilespmem:$0x8800] =	vst v63  }
0x4e: {  	_ =	swait.ge [sflag:s12], $0x280  }
0x4f: {  	[sflag:s12] =	ssyncset.done $0x0  }
0x50: {  	[sflag:s12] =	ssyncadd.s32 $0xFFFFFD80  }
0x51: {  	[bflag:$0x0] =	sbarrier.arrive $0xFFFF  }
0x52: {  	[spmem:s1] =	stream.indirect.scatter.add.f32 [tilespmem:s16], [sflag:$0x1], $0x1, s4, s15, $0xb8;
	[tilespmem:$0x8800] =	vst v63  }
0x53: {  	_ = 	snop  }
0x54: {  	[spmem:s3] =	stream.indirect.scatter.add.f32 [tilespmem:s16], [sflag:$0x2], $0x1, s13, s15, $0xb8;
	[tilespmem:$0x8800] =	vst v63  }
0x55: {  	_ = 	snop  }
0x56: {  	[spmem:s1] =	stream.indirect.scatter.add.f32 [tilespmem:s16], [sflag:$0x1], $0x1, s17, s15, $0xb8;
	[tilespmem:$0x8800] =	vst v63  }
0x57: {  	_ = 	snop  }
0x58: {  	[spmem:s3] =	stream.indirect.scatter.add.f32 [tilespmem:s16], [sflag:$0x2], $0x1, s18, s15, $0xb8;
	[tilespmem:$0x8800] =	vst v63  }
0x59: {  	_ = 	snop  }
0x5a: {  	[spmem:s1] =	stream.indirect.scatter.add.f32 [tilespmem:s16], [sflag:$0x1], $0x1, s19, s15, $0xb8;
	[tilespmem:$0x8800] =	vst v63  }
0x5b: {  	_ = 	snop  }
0x5c: {  	[spmem:s3] =	stream.indirect.scatter.add.f32 [tilespmem:s16], [sflag:$0x2], $0x1, s20, s15, $0xb8;
	[tilespmem:$0x8800] =	vst v63  }
0x5d: {  	_ = 	snop  }
0x5e: {  	[spmem:s1] =	stream.indirect.scatter.add.f32 [tilespmem:s16], [sflag:$0x1], $0x1, s21, s15, $0xb8;
	[tilespmem:$0x8800] =	vst v63  }
0x5f: {  	_ = 	snop  }
0x60: {  	[spmem:s3] =	stream.indirect.scatter.add.f32 [tilespmem:s16], [sflag:$0x2], $0x1, s22, s15, $0xb8;
	[tilespmem:$0x8800] =	vst v63  }
0x61: {  	s30 =	simm.s32 $0x200  }
0x62: {  	[spmem:s1] =	stream.indirect.scatter.add.f32 [tilespmem:s16], [sflag:$0x1], $0x1, s30, s15, $0xb8;
	[tilespmem:$0x8800] =	vst v63  }
0x63: {  	s30 =	simm.s32 $0x4200  }
0x64: {  	[spmem:s3] =	stream.indirect.scatter.add.f32 [tilespmem:s16], [sflag:$0x2], $0x1, s30, s15, $0xb8;
	[tilespmem:$0x8800] =	vst v63  }
0x65: {  	_ =	swait.ge [sflag:s23], $0x50  }
0x66: {  	[sflag:s23] =	ssyncset.done $0x0  }
0x67: {  	[sflag:s23] =	ssyncadd.s32 $0xFFFFFFB0  }
0x68: {  	_ =	swait.ge [sflag:s24], $0x50  }
0x69: {  	s31 =	simm.s32 $0xC00;
	s30 =	simm.s32 $0xA00;
	[sflag:s24] =	ssyncset.done $0x0  }
.LBB2_2:
0x6a: {  	s0 =	sshra.s32 s30, $0x2  }
0x6b: {  	[sflag:s24] =	ssyncadd.s32 $0xFFFFFFB0;
	s30 =	smov.u32 s31;
	s2 =	sadd.s32 $0x200, s31  }
0x6c: {  	[spmem:s1] =	stream.indirect.scatter.add.f32 [tilespmem:s16], [sflag:$0x1], $0x1, s0, s15, $0xb8;
	[tilespmem:$0x8800] =	vst v63  }
0x6d: {  	p0 =	sne.s32 s31, $0xF800;
	s0 =	sadd.s32 $0x4000, s0  }
0x6e: {  	[spmem:s3] =	stream.indirect.scatter.add.f32 [tilespmem:s16], [sflag:$0x2], $0x1, s0, s15, $0xb8;
	[tilespmem:$0x8800] =	vst v63  }
.Ltmp0:
0x6f: {  	_ =	swait.ge [sflag:s23], $0x50;
	(pc) =	sbr.rel @p0 .LBB2_2-.Ltmp0, $4  }
0x70: {  	[sflag:s23] =	ssyncset.done $0x0  }
0x71: {  	[sflag:s23] =	ssyncadd.s32 $0xFFFFFFB0  }
0x72: {  	_ =	swait.ge [sflag:s24], $0x50  }
0x73: {  	s31 =	smov.u32 s2;
	[sflag:s24] =	ssyncset.done $0x0  }
0x74: {  	s0 =	sshra.s32 s30, $0x2;
	[sflag:s24] =	ssyncadd.s32 $0xFFFFFFB0  }
0x75: {  	[spmem:s1] =	stream.indirect.scatter.add.f32 [tilespmem:s16], [sflag:$0x1], $0x1, s0, s15, $0xb8;
	[tilespmem:$0x8800] =	vst v63  }
0x76: {  	s0 =	sadd.s32 $0x4000, s0  }
0x77: {  	[spmem:s3] =	stream.indirect.scatter.add.f32 [tilespmem:s16], [sflag:$0x2], $0x1, s0, s15, $0xb8;
	[tilespmem:$0x8800] =	vst v63  }
0x78: {  	_ =	swait.ge [sflag:s23], $0x50  }
0x79: {  	[sflag:s23] =	ssyncset.done $0x0  }
0x7a: {  	[sflag:s23] =	ssyncadd.s32 $0xFFFFFFB0  }
0x7b: {  	_ =	swait.ge [sflag:s24], $0x50  }
0x7c: {  	[sflag:s24] =	ssyncset.done $0x0  }
0x7d: {  	[sflag:s24] =	ssyncadd.s32 $0xFFFFFFB0  }
0x7e: {  	_ =	swait.ge [sflag:s23], $0x50  }
0x7f: {  	[sflag:s23] =	ssyncset.done $0x0  }
0x80: {  	[sflag:s23] =	ssyncadd.s32 $0xFFFFFFB0  }
0x81: {  	_ =	swait.ge [sflag:s24], $0x50  }
0x82: {  	[sflag:s24] =	ssyncset.done $0x0  }
0x83: {  	[sflag:s24] =	ssyncadd.s32 $0xFFFFFFB0  }
0x84: {  	_ =	swait.ge [sflag:s23], $0x50  }
0x85: {  	[sflag:s23] =	ssyncset.done $0x0  }
0x86: {  	[sflag:s23] =	ssyncadd.s32 $0xFFFFFFB0  }
0x87: {  	_ =	swait.ge [sflag:s24], $0x50  }
0x88: {  	[sflag:s24] =	ssyncset.done $0x0  }
0x89: {  	[sflag:s24] =	ssyncadd.s32 $0xFFFFFFB0  }
0x8a: {  	_ =	swait.ge [sflag:s23], $0x50  }
0x8b: {  	[sflag:s23] =	ssyncset.done $0x0  }
0x8c: {  	[sflag:s23] =	ssyncadd.s32 $0xFFFFFFB0  }
0x8d: {  	_ =	swait.ge [sflag:s24], $0x50  }
0x8e: {  	[sflag:s24] =	ssyncset.done $0x0  }
0x8f: {  	[sflag:s24] =	ssyncadd.s32 $0xFFFFFFB0  }
0x90: {  	_ =	swait.ge [sflag:s23], $0x50  }
0x91: {  	[sflag:s23] =	ssyncset.done $0x0  }
0x92: {  	[sflag:s23] =	ssyncadd.s32 $0xFFFFFFB0  }
0x93: {  	_ =	swait.ge [sflag:s24], $0x50  }
0x94: {  	[sflag:s24] =	ssyncset.done $0x0  }
0x95: {  	[sflag:s24] =	ssyncadd.s32 $0xFFFFFFB0  }
0x96: {  	s30 =	sshrl.u32 s7, $0x3;
	[bflag:$0x0] =	sbarrier.arrive $0xFFFF  }
0x97: {  	[hbm:s9@s26], [sflag:s25] =	dma.strided [spmem:s30@s28], $0x50, s23, $0x10   }
0x98: {  	s29 =	sadd.s32 $0x1, s29;
	_ =	swait.ge [sflag:s12], $0x50  }
0x99: {  	p0 =	sne.s32 s29, s11;
	[sflag:s12] =	ssyncset.done $0x0  }
.Ltmp1:
0x9a: {  	s31 =	sshrl.u32 s8, $0x3;
	[sflag:s12] =	ssyncadd.s32 $0xFFFFFFB0;
	(pc) =	sbr.rel @p0 .LBB2_1-.Ltmp1, $4  }
0x9b: {  	[hbm:s10@s26], [sflag:s25] =	dma.strided [spmem:s31@s28], $0x50, s23, $0x10   }
0x9c: {  	_ =	swait.ge [sflag:s12], $0x50  }
0x9d: {  	[sflag:s12] =	ssyncset.done $0x0  }
0x9e: {  	[sflag:s12] =	ssyncadd.s32 $0xFFFFFFB0  }
0x9f: {  	_ =	sfence.sel $0x180000  }
0xa0: {  	[bflag:$0x0] =	sbarrier.arrive $0xFFFF  }
0xa1: {  	_ =	strace $0x90000047  }
0xa2: {  	s0 =	stileid.u32;
	[bflag:$0x2] =	sbarrier.arrive $0xFFFF  }
0xa3: {  	p0 =	sne.s32 s0, $0x0;
	s0 =	rddreg [dreg:$0x5]  }
0xa4: {  	s0 =	sadd.s32 @!p0 $0x100000, s0  }
0xa5: {  	[sflag:s0] =	ssyncadd.tile.s32 @!p0 $0x1;
	_ =	shalt  }
.Lfunc_end2:
_tile_overlayer_lowered:
.L_overlay_start_2:
0xa6: {  	(tag) =	ssettag $0x2  }
0xa7: {  	s0 =	rddreg [dreg:$0x0];
	s2 =	stileid.u32  }
0xa8: {  	s1 =	rddreg [dreg:$0x1];
	p0 =	sne.s32 s2, $0x0  }
0xa9: {  	s3 =	rddreg [dreg:$0x2];
	[bflag:$0x3] =	sbarrier.arrive $0xFFFF;
	s2 =	simm.s32 @!p0 $0x1C03  }
0xaa: {  	[timem:s3], [sflag:s2] =	dma.local @!p0 [hbm:s0], s1  }
0xab: {  	s0 =	simm.s32 @!p0 $0x3  }
0xac: {  	_ =	swait.ge @!p0 [sflag:s0], s1  }
0xad: {  	s1 =	ssub.s32 @!p0 $0x0, s1;
	[sflag:s0] =	ssyncset.done @!p0 $0x0  }
0xae: {  	[sflag:s0] =	ssyncadd.s32 @!p0 s1  }
0xaf: {  	[bflag:$0x3] =	sbarrier.arrive $0xFFFF  }
0xb0: {  	_ =	shalt  }

</sc_bundles>
